<compile_context>
chip_gen: v7x
topology: tpu7x:2x2x1
jax: 0.10.2.dev20260603
libtpu: 0.0.44.dev20260713+nightly
codegen_flags: <defaults>
</compile_context>

<pallas_src>
import functools
import math

import jax
import jax.numpy as jnp
from jax import lax
from jax.experimental import pallas as pl
from jax.experimental.pallas import tpu as pltpu
from jax.experimental.pallas import tpu_sc as plsc

NUM_CODES = 8192
CODE_DIM = 32
ROW_BLOCK = 512


def _vq_kernel(z_blk, embed_t, cs, codes_out, scal_out,
               active_out, soft_acc, esq, msum, *, n_rows, n_blocks):
    i = pl.program_id(0)

    @pl.when(i == 0)
    def _init():
        esq[...] = jnp.sum(embed_t[...] * embed_t[...], axis=0, keepdims=True)
        soft_acc[...] = jnp.zeros_like(soft_acc)
        msum[0, 0] = 0.0

    z2 = 2.0 * z_blk[...]
    zsq = 0.25 * jnp.sum(z2 * z2, axis=1, keepdims=True)
    prod2 = jnp.dot(z2, embed_t[...], preferred_element_type=jnp.float32)
    dist = (zsq - prod2) + esq[...]

    rowmin = jnp.min(dist, axis=1, keepdims=True)
    lane = jax.lax.broadcasted_iota(jnp.int32, (1, dist.shape[1]), 1)
    codes = jnp.min(jnp.where(dist == rowmin, lane, NUM_CODES),
                    axis=1, keepdims=True)

    p = jnp.exp(rowmin - dist)
    zsum = jnp.sum(p, axis=1, keepdims=True)
    invz_row = jnp.transpose(1.0 / zsum)
    soft_acc[...] += jnp.dot(invz_row, p, preferred_element_type=jnp.float32)

    codes_out[...] = codes
    msum[0, 0] += jnp.sum(rowmin)

    @pl.when(i == n_blocks - 1)
    def _finish():
        n = jnp.float32(n_rows)
        avg_soft = soft_acc[...] / n
        usage_entropy = -jnp.sum(avg_soft * jnp.log(avg_soft + 1e-10))
        diversity_loss = -usage_entropy / math.log(NUM_CODES)
        loss = msum[0, 0] / (n * CODE_DIM)
        lane8 = jax.lax.broadcasted_iota(jnp.int32, (1, 8), 1)
        scal_out[...] = (loss * (lane8 <= 1)
                         + diversity_loss * (lane8 == 2)
                         + usage_entropy * (lane8 == 3))
        active = jnp.sum((cs[...] > 1.0).astype(jnp.int32))
        active_out[...] = jnp.broadcast_to(active, (1, 1))


def _tc_stats(flat_z, embed, cluster_size):
    n_rows = flat_z.shape[0]
    n_blocks = n_rows // ROW_BLOCK
    embed_t = embed.T
    cs = cluster_size.reshape(1, NUM_CODES)

    out_shapes = (
        jax.ShapeDtypeStruct((n_rows, 1), jnp.int32),
        jax.ShapeDtypeStruct((1, 8), jnp.float32),
        jax.ShapeDtypeStruct((1, 1), jnp.int32),
    )
    return pl.pallas_call(
        functools.partial(_vq_kernel, n_rows=n_rows, n_blocks=n_blocks),
        grid=(n_blocks,),
        in_specs=[
            pl.BlockSpec((ROW_BLOCK, CODE_DIM), lambda i: (i, 0)),
            pl.BlockSpec((CODE_DIM, NUM_CODES), lambda i: (0, 0)),
            pl.BlockSpec((1, NUM_CODES), lambda i: (0, 0)),
        ],
        out_specs=(
            pl.BlockSpec((ROW_BLOCK, 1), lambda i: (i, 0)),
            pl.BlockSpec((1, 8), lambda i: (0, 0)),
            pl.BlockSpec((1, 1), lambda i: (0, 0)),
        ),
        out_shape=out_shapes,
        scratch_shapes=[
            pltpu.VMEM((1, NUM_CODES), jnp.float32),
            pltpu.VMEM((1, NUM_CODES), jnp.float32),
            pltpu.SMEM((1, 1), jnp.float32),
        ],
    )(flat_z, embed_t, cs)


def _sc_gather_hist(embed, codes_flat, zeros_k, ones_b):
    info = plsc.get_sparse_core_info()
    nw = info.num_cores * info.num_subcores
    n = codes_flat.shape[0]
    b_per_w = n // nw
    mesh = plsc.VectorSubcoreMesh(core_axis_name="c", subcore_axis_name="s")

    @functools.partial(
        pl.kernel,
        mesh=mesh,
        out_type=(
            jax.ShapeDtypeStruct((n, CODE_DIM), jnp.float32),
            jax.ShapeDtypeStruct((info.num_cores, NUM_CODES), jnp.float32),
        ),
        scratch_types=[
            pltpu.VMEM((b_per_w,), jnp.int32),
            pltpu.VMEM((b_per_w, CODE_DIM), jnp.float32),
            pltpu.VMEM((b_per_w,), jnp.float32),
            pltpu.VMEM_SHARED((NUM_CODES,), jnp.float32),
            pltpu.SemaphoreType.DMA,
        ],
        compiler_params=pltpu.CompilerParams(use_tc_tiling_on_sc=False),
    )
    def gather_k(table_hbm, idx_hbm, zeros_hbm, ones_hbm,
                 out_hbm, cnt_hbm, idx_v, rows_v, ones_v, cnt_sh, sem):
        cid = lax.axis_index("c")
        sid = lax.axis_index("s")
        wid = sid * info.num_cores + cid
        base = wid * b_per_w

        @pl.when(sid == 0)
        def _zero():
            pltpu.sync_copy(zeros_hbm, cnt_sh)
        pltpu.sync_copy(idx_hbm.at[pl.ds(base, b_per_w)], idx_v)
        pltpu.sync_copy(ones_hbm.at[pl.ds(0, b_per_w)], ones_v)
        pltpu.async_copy(table_hbm.at[idx_v], rows_v, sem).wait()
        pltpu.sync_copy(rows_v, out_hbm.at[pl.ds(base, b_per_w)])
        plsc.subcore_barrier()
        pltpu.sync_copy(ones_v, cnt_sh.at[idx_v], add=True)
        plsc.subcore_barrier()

        @pl.when(sid == 0)
        def _flush():
            pltpu.sync_copy(cnt_sh, cnt_hbm.at[cid])

    return gather_k(embed, codes_flat, zeros_k, ones_b)


def _perp_kernel(cnt, scal_in, scal_out, *, n_rows):
    hard_avg = (cnt[0:1, :] + cnt[1:2, :]) / jnp.float32(n_rows)
    perp = jnp.exp(-jnp.sum(hard_avg * jnp.log(hard_avg + 1e-10)))
    lane8 = jax.lax.broadcasted_iota(jnp.int32, (1, 8), 1)
    scal_out[...] = jnp.where(lane8 == 4, perp, scal_in[...])


def _tc_perplexity(cnt_partials, scal, n_rows):
    return pl.pallas_call(
        functools.partial(_perp_kernel, n_rows=n_rows),
        out_shape=jax.ShapeDtypeStruct((1, 8), jnp.float32),
    )(cnt_partials, scal)


@jax.jit
def kernel(z, embed, cluster_size):
    orig_shape = z.shape
    flat_z = z.reshape(-1, CODE_DIM)
    n_rows = flat_z.shape[0]
    codes, scal, active = _tc_stats(flat_z, embed, cluster_size)
    codes_flat = codes.reshape(-1)
    zeros_k = jnp.zeros((NUM_CODES,), jnp.float32)
    ones_b = jnp.ones((n_rows,), jnp.float32)
    zq, cnt_partials = _sc_gather_hist(embed, codes_flat, zeros_k, ones_b)
    scal = _tc_perplexity(cnt_partials, scal, n_rows)

    z_q_out = zq.reshape(orig_shape)
    codes_out = codes.reshape(orig_shape[:-1])
    return (z_q_out, codes_out,
            scal[0, 0], scal[0, 1], scal[0, 2], scal[0, 3], scal[0, 4],
            active[0, 0])

# --- scband reference (transcript-rebuilt; emitter-appended) ---
"""Pipeline reference for scband-vector-quantizer-with-diversity-8804682957159 (READ-ONLY COPY).

The authoritative reference and input builder live on the scoring server;
editing this copy changes nothing except your own understanding.
"""

import jax, jax.numpy as jnp
import numpy as np

NUM_CODES = 8192
CODE_DIM = 32
B, T = 8, 1024

def setup_inputs(seed: int = 0) -> dict:
    key = jax.random.key(seed)
    k1, k2 = jax.random.split(key)
    z = jax.random.normal(k1, (B, T, CODE_DIM), dtype=jnp.float32)
    embed = jax.random.normal(k2, (NUM_CODES, CODE_DIM), dtype=jnp.float32) * 0.5
    cluster_size = jnp.ones((NUM_CODES,), dtype=jnp.float32)
    return {"z": z, "embed": embed, "cluster_size": cluster_size}

def reference(z, embed, cluster_size):
    temperature = 1.0
    orig_shape = z.shape
    num_codes = embed.shape[0]
    flat_z = z.reshape(-1, embed.shape[1])
    # squared L2 distance to every code
    dist = (jnp.sum(flat_z ** 2, axis=1, keepdims=True)
            - 2.0 * flat_z @ embed.T
            + jnp.sum(embed ** 2, axis=1, keepdims=True).T)
    soft_assign = jax.nn.softmax(-dist / max(temperature, 0.01), axis=-1)
    codes = jnp.argmin(dist, axis=1)
    z_q = jnp.take(embed, codes, axis=0)
    commitment_loss = jnp.mean((flat_z - jax.lax.stop_gradient(z_q)) ** 2)
    codebook_loss = jnp.mean((z_q - jax.lax.stop_gradient(flat_z)) ** 2)
    avg_soft = jnp.mean(soft_assign, axis=0)
    usage_entropy = -jnp.sum(avg_soft * jnp.log(avg_soft + 1e-10))
    max_entropy = np.log(num_codes)
    diversity_loss = -usage_entropy / max_entropy
    # straight-through estimator
    z_q_st = flat_z + jax.lax.stop_gradient(z_q - flat_z)
    z_q_out = z_q_st.reshape(orig_shape)
    codes_out = codes.reshape(orig_shape[:-1])
    hard_avg = jnp.bincount(codes, length=num_codes).astype(jnp.float32) / codes.shape[0]
    perplexity = jnp.exp(-jnp.sum(hard_avg * jnp.log(hard_avg + 1e-10)))
    active = jnp.sum(cluster_size > 1)
    return (z_q_out, codes_out, commitment_loss, codebook_loss, diversity_loss, usage_entropy, perplexity, active)

if __name__ == "__main__":
    import jax
    _d = setup_inputs()
    print(jax.jit(kernel)(*tuple(_d.values())))

</pallas_src>

<mosaic_0001>
#map = affine_map<(d0, d1) -> (0, 0)>
#map1 = affine_map<(d0, d1) -> (0)>
module attributes {stable_mosaic.version = 14 : i64} {
  func.func @gather_k(%arg0: i32, %arg1: i32, %arg2: memref<8192x32xf32, #tpu.memory_space<hbm>>, %arg3: memref<8192xi32, #tpu.memory_space<hbm>>, %arg4: memref<8192xf32, #tpu.memory_space<hbm>>, %arg5: memref<8192xf32, #tpu.memory_space<hbm>>, %arg6: memref<8192x32xf32, #tpu.memory_space<hbm>>, %arg7: memref<2x8192xf32, #tpu.memory_space<hbm>>, %arg8: memref<256xi32, #tpu.memory_space<vmem>>, %arg9: memref<256x32xf32, #tpu.memory_space<vmem>>, %arg10: memref<256xf32, #tpu.memory_space<vmem>>, %arg11: memref<8192xf32, #tpu.memory_space<vmem_shared>>, %arg12: memref<!tpu.dma_semaphore, #tpu.memory_space<semaphore_mem>>) attributes {dimension_semantics = [#tpu.dimension_semantics<core_parallel>, #tpu.dimension_semantics<subcore_parallel>], iteration_bounds = array<i64: 2, 16>, scalar_prefetch = 0 : i64, scratch_operands = 5 : i64, tpu.core_type = #tpu.core_type<sc_vector_subcore>, window_params = [{transform_indices = #map}, {transform_indices = #map1}, {transform_indices = #map1}, {transform_indices = #map1}, {transform_indices = #map}, {transform_indices = #map}]} {
    %mul3A = arith.constant 2 : i32
    %mul3A_0 = arith.muli %arg1, %mul3A : i32
    %add3A = arith.addi %mul3A_0, %arg0 : i32
    %mul3A_1 = arith.constant 256 : i32
    %mul3A_2 = arith.muli %add3A, %mul3A_1 : i32
    %eq3A = arith.constant 0 : i32
    %eq3A_3 = arith.cmpi eq, %arg1, %eq3A : i32
    %convert_element_type3A = arith.extui %eq3A_3 : i1 to i32
    %cond3A = arith.constant 0 : i32
    %cond3A_4 = arith.cmpi ne, %convert_element_type3A, %cond3A : i32
    scf.if %cond3A_4 {
      "tpu.region"() ({
        %run_scoped3A = tpu.sem_alloc : memref<!tpu.dma_semaphore, #tpu.memory_space<semaphore_mem>>
        tpu.enqueue_dma source(%arg4 : memref<8192xf32, #tpu.memory_space<hbm>>) target(%arg11 : memref<8192xf32, #tpu.memory_space<vmem_shared>>) target_semaphore(%run_scoped3A : memref<!tpu.dma_semaphore, #tpu.memory_space<semaphore_mem>>)
        tpu.wait_dma2 semaphore(%run_scoped3A : memref<!tpu.dma_semaphore, #tpu.memory_space<semaphore_mem>>) src(%arg4 : memref<8192xf32, #tpu.memory_space<hbm>>) dst(%arg11 : memref<8192xf32, #tpu.memory_space<vmem_shared>>)
        tpu.yield
      }) : () -> ()
    } else {
    }
    "tpu.region"() ({
      %run_scoped3A = tpu.sem_alloc : memref<!tpu.dma_semaphore, #tpu.memory_space<semaphore_mem>>
      %dma_start3A_15 = tpu.memref_slice %arg3[%mul3A_2] : memref<8192xi32, #tpu.memory_space<hbm>> -> memref<256xi32, #tpu.memory_space<hbm>>
      %dma_start3A_16 = tpu.memref_slice %arg3[%mul3A_2] : memref<8192xi32, #tpu.memory_space<hbm>> -> memref<256xi32, #tpu.memory_space<hbm>>
      tpu.enqueue_dma source(%dma_start3A_16 : memref<256xi32, #tpu.memory_space<hbm>>) target(%arg8 : memref<256xi32, #tpu.memory_space<vmem>>) target_semaphore(%run_scoped3A : memref<!tpu.dma_semaphore, #tpu.memory_space<semaphore_mem>>)
      %dma_wait3A_17 = tpu.memref_slice %arg3[%mul3A_2] : memref<8192xi32, #tpu.memory_space<hbm>> -> memref<256xi32, #tpu.memory_space<hbm>>
      %dma_wait3A_18 = tpu.memref_slice %arg3[%mul3A_2] : memref<8192xi32, #tpu.memory_space<hbm>> -> memref<256xi32, #tpu.memory_space<hbm>>
      tpu.wait_dma2 semaphore(%run_scoped3A : memref<!tpu.dma_semaphore, #tpu.memory_space<semaphore_mem>>) src(%dma_wait3A_18 : memref<256xi32, #tpu.memory_space<hbm>>) dst(%arg8 : memref<256xi32, #tpu.memory_space<vmem>>)
      tpu.yield
    }) : () -> ()
    "tpu.region"() ({
      %run_scoped3A = tpu.sem_alloc : memref<!tpu.dma_semaphore, #tpu.memory_space<semaphore_mem>>
      %dma_start3A_15 = arith.constant 0 : i32
      %dma_start3A_16 = tpu.memref_slice %arg5[%dma_start3A_15] : memref<8192xf32, #tpu.memory_space<hbm>> -> memref<256xf32, #tpu.memory_space<hbm>>
      %dma_start3A_17 = arith.constant 0 : i32
      %dma_start3A_18 = tpu.memref_slice %arg5[%dma_start3A_17] : memref<8192xf32, #tpu.memory_space<hbm>> -> memref<256xf32, #tpu.memory_space<hbm>>
      tpu.enqueue_dma source(%dma_start3A_18 : memref<256xf32, #tpu.memory_space<hbm>>) target(%arg10 : memref<256xf32, #tpu.memory_space<vmem>>) target_semaphore(%run_scoped3A : memref<!tpu.dma_semaphore, #tpu.memory_space<semaphore_mem>>)
      %dma_wait3A_19 = arith.constant 0 : i32
      %dma_wait3A_20 = tpu.memref_slice %arg5[%dma_wait3A_19] : memref<8192xf32, #tpu.memory_space<hbm>> -> memref<256xf32, #tpu.memory_space<hbm>>
      %dma_wait3A_21 = arith.constant 0 : i32
      %dma_wait3A_22 = tpu.memref_slice %arg5[%dma_wait3A_21] : memref<8192xf32, #tpu.memory_space<hbm>> -> memref<256xf32, #tpu.memory_space<hbm>>
      tpu.wait_dma2 semaphore(%run_scoped3A : memref<!tpu.dma_semaphore, #tpu.memory_space<semaphore_mem>>) src(%dma_wait3A_22 : memref<256xf32, #tpu.memory_space<hbm>>) dst(%arg10 : memref<256xf32, #tpu.memory_space<vmem>>)
      tpu.yield
    }) : () -> ()
    %dma_start3A = arith.constant 0 : i32
    %dma_start3A_5 = arith.constant 0 : i32
    %dma_start3A_6 = tpu.memref_slice %arg2[%dma_start3A, %dma_start3A_5] : memref<8192x32xf32, #tpu.memory_space<hbm>> -> memref<8192x32xf32, #tpu.memory_space<hbm>>
    tpu.enqueue_indirect_dma source(%dma_start3A_6 : memref<8192x32xf32, #tpu.memory_space<hbm>>) target(%arg9 : memref<256x32xf32, #tpu.memory_space<vmem>>) offsets(%arg8 : memref<256xi32, #tpu.memory_space<vmem>>) semaphore(%arg12 : memref<!tpu.dma_semaphore, #tpu.memory_space<semaphore_mem>>)
    %dma_wait3A = arith.constant 0 : i32
    %dma_wait3A_7 = arith.constant 0 : i32
    %dma_wait3A_8 = tpu.memref_slice %arg2[%dma_wait3A, %dma_wait3A_7] : memref<8192x32xf32, #tpu.memory_space<hbm>> -> memref<8192x32xf32, #tpu.memory_space<hbm>>
    tpu.wait_indirect_dma semaphore(%arg12 : memref<!tpu.dma_semaphore, #tpu.memory_space<semaphore_mem>>) src(%dma_wait3A_8 : memref<8192x32xf32, #tpu.memory_space<hbm>>) dst(%arg9 : memref<256x32xf32, #tpu.memory_space<vmem>>)
    "tpu.region"() ({
      %run_scoped3A = tpu.sem_alloc : memref<!tpu.dma_semaphore, #tpu.memory_space<semaphore_mem>>
      %dma_start3A_15 = arith.constant 0 : i32
      %dma_start3A_16 = tpu.memref_slice %arg6[%mul3A_2, %dma_start3A_15] : memref<8192x32xf32, #tpu.memory_space<hbm>> -> memref<256x32xf32, #tpu.memory_space<hbm>>
      %dma_start3A_17 = arith.constant 0 : i32
      %dma_start3A_18 = tpu.memref_slice %arg6[%mul3A_2, %dma_start3A_17] : memref<8192x32xf32, #tpu.memory_space<hbm>> -> memref<256x32xf32, #tpu.memory_space<hbm>>
      tpu.enqueue_dma source(%arg9 : memref<256x32xf32, #tpu.memory_space<vmem>>) target(%dma_start3A_18 : memref<256x32xf32, #tpu.memory_space<hbm>>) target_semaphore(%run_scoped3A : memref<!tpu.dma_semaphore, #tpu.memory_space<semaphore_mem>>)
      %dma_wait3A_19 = arith.constant 0 : i32
      %dma_wait3A_20 = tpu.memref_slice %arg6[%mul3A_2, %dma_wait3A_19] : memref<8192x32xf32, #tpu.memory_space<hbm>> -> memref<256x32xf32, #tpu.memory_space<hbm>>
      %dma_wait3A_21 = arith.constant 0 : i32
      %dma_wait3A_22 = tpu.memref_slice %arg6[%mul3A_2, %dma_wait3A_21] : memref<8192x32xf32, #tpu.memory_space<hbm>> -> memref<256x32xf32, #tpu.memory_space<hbm>>
      tpu.wait_dma2 semaphore(%run_scoped3A : memref<!tpu.dma_semaphore, #tpu.memory_space<semaphore_mem>>) src(%arg9 : memref<256x32xf32, #tpu.memory_space<vmem>>) dst(%dma_wait3A_22 : memref<256x32xf32, #tpu.memory_space<hbm>>)
      tpu.yield
    }) : () -> ()
    %barrier3A = arith.constant 0 : index
    tpu.barrier barrier_id(%barrier3A)
    "tpu.region"() ({
      %run_scoped3A = tpu.sem_alloc : memref<!tpu.dma_semaphore, #tpu.memory_space<semaphore_mem>>
      %dma_start3A_15 = arith.constant 0 : i32
      %dma_start3A_16 = tpu.memref_slice %arg11[%dma_start3A_15] : memref<8192xf32, #tpu.memory_space<vmem_shared>> -> memref<8192xf32, #tpu.memory_space<vmem_shared>>
      tpu.enqueue_indirect_dma source(%arg10 : memref<256xf32, #tpu.memory_space<vmem>>) target(%dma_start3A_16 : memref<8192xf32, #tpu.memory_space<vmem_shared>>) offsets(%arg8 : memref<256xi32, #tpu.memory_space<vmem>>) semaphore(%run_scoped3A : memref<!tpu.dma_semaphore, #tpu.memory_space<semaphore_mem>>) {add = true}
      %dma_wait3A_17 = arith.constant 0 : i32
      %dma_wait3A_18 = tpu.memref_slice %arg11[%dma_wait3A_17] : memref<8192xf32, #tpu.memory_space<vmem_shared>> -> memref<8192xf32, #tpu.memory_space<vmem_shared>>
      tpu.wait_indirect_dma semaphore(%run_scoped3A : memref<!tpu.dma_semaphore, #tpu.memory_space<semaphore_mem>>) src(%arg10 : memref<256xf32, #tpu.memory_space<vmem>>) dst(%dma_wait3A_18 : memref<8192xf32, #tpu.memory_space<vmem_shared>>)
      tpu.yield
    }) : () -> ()
    %barrier3A_9 = arith.constant 0 : index
    tpu.barrier barrier_id(%barrier3A_9)
    %eq3A_10 = arith.constant 0 : i32
    %eq3A_11 = arith.cmpi eq, %arg1, %eq3A_10 : i32
    %convert_element_type3A_12 = arith.extui %eq3A_11 : i1 to i32
    %cond3A_13 = arith.constant 0 : i32
    %cond3A_14 = arith.cmpi ne, %convert_element_type3A_12, %cond3A_13 : i32
    scf.if %cond3A_14 {
      "tpu.region"() ({
        %run_scoped3A = tpu.sem_alloc : memref<!tpu.dma_semaphore, #tpu.memory_space<semaphore_mem>>
        %dma_start3A_15 = arith.constant 0 : i32
        %dma_start3A_16 = tpu.memref_slice %arg7[%arg0, %dma_start3A_15] : memref<2x8192xf32, #tpu.memory_space<hbm>> -> memref<1x8192xf32, #tpu.memory_space<hbm>>
        %dma_start3A_17 = tpu.memref_squeeze %dma_start3A_16 : memref<1x8192xf32, #tpu.memory_space<hbm>> -> memref<8192xf32, #tpu.memory_space<hbm>>
        tpu.enqueue_dma source(%arg11 : memref<8192xf32, #tpu.memory_space<vmem_shared>>) target(%dma_start3A_17 : memref<8192xf32, #tpu.memory_space<hbm>>) target_semaphore(%run_scoped3A : memref<!tpu.dma_semaphore, #tpu.memory_space<semaphore_mem>>)
        %dma_wait3A_18 = arith.constant 0 : i32
        %dma_wait3A_19 = tpu.memref_slice %arg7[%arg0, %dma_wait3A_18] : memref<2x8192xf32, #tpu.memory_space<hbm>> -> memref<1x8192xf32, #tpu.memory_space<hbm>>
        %dma_wait3A_20 = tpu.memref_squeeze %dma_wait3A_19 : memref<1x8192xf32, #tpu.memory_space<hbm>> -> memref<8192xf32, #tpu.memory_space<hbm>>
        tpu.wait_dma2 semaphore(%run_scoped3A : memref<!tpu.dma_semaphore, #tpu.memory_space<semaphore_mem>>) src(%arg11 : memref<8192xf32, #tpu.memory_space<vmem_shared>>) dst(%dma_wait3A_20 : memref<8192xf32, #tpu.memory_space<hbm>>)
        tpu.yield
      }) : () -> ()
    } else {
    }
    return
  }
}

module attributes {stable_mosaic.version = 14 : i64} {
  func.func @_vq_kernel(%arg0: i32, %arg1: memref<512x32xf32, #tpu.memory_space<vmem>>, %arg2: memref<32x8192xf32, #tpu.memory_space<vmem>>, %arg3: memref<1x8192xf32, #tpu.memory_space<vmem>>, %arg4: memref<512x1xi32, #tpu.memory_space<vmem>>, %arg5: memref<1x8xf32, #tpu.memory_space<vmem>>, %arg6: memref<1x1xi32, #tpu.memory_space<vmem>>, %arg7: memref<1x8192xf32, #tpu.memory_space<vmem>>, %arg8: memref<1x8192xf32, #tpu.memory_space<vmem>>, %arg9: memref<1x1xf32, #tpu.memory_space<smem>>) attributes {dimension_semantics = [#tpu.dimension_semantics<arbitrary>], iteration_bounds = array<i64: 16>, scalar_prefetch = 0 : i64, scratch_operands = 3 : i64, tpu.core_type = #tpu.core_type<tc>, window_params = [{transform_indices = @transform_0, window_bounds = array<i64: 512, 32>}, {pipeline_mode = #tpu.pipeline_mode<synchronous>, transform_indices = @transform_1, window_bounds = array<i64: 32, 8192>}, {pipeline_mode = #tpu.pipeline_mode<synchronous>, transform_indices = @transform_2, window_bounds = array<i64: 1, 8192>}, {transform_indices = @transform_3, window_bounds = array<i64: 512, 1>}, {pipeline_mode = #tpu.pipeline_mode<synchronous>, transform_indices = @transform_4, window_bounds = array<i64: 1, 8>}, {pipeline_mode = #tpu.pipeline_mode<synchronous>, transform_indices = @transform_5, window_bounds = array<i64: 1, 1>}]} {
    %eq3A = arith.constant 0 : i32
    %eq3A_0 = arith.cmpi eq, %arg0, %eq3A : i32
    %convert_element_type3A = arith.extui %eq3A_0 : i1 to i32
    %cond3A = arith.constant 0 : i32
    %cond3A_1 = arith.cmpi ne, %convert_element_type3A, %cond3A : i32
    scf.if %cond3A_1 {
      %get3A_65 = arith.constant 0 : index
      %get3A_66 = arith.constant 0 : index
      %get3A_67 = vector.load %arg2[%get3A_65, %get3A_66] : memref<32x8192xf32, #tpu.memory_space<vmem>>, vector<32x8192xf32>
      %get3A_68 = arith.constant 0 : index
      %get3A_69 = arith.constant 0 : index
      %get3A_70 = vector.load %arg2[%get3A_68, %get3A_69] : memref<32x8192xf32, #tpu.memory_space<vmem>>, vector<32x8192xf32>
      %mul3A_71 = arith.mulf %get3A_67, %get3A_70 : vector<32x8192xf32>
      %reduce_sum3A_72 = arith.constant dense<0.000000e+00> : vector<8192xf32>
      %reduce_sum3A_73 = vector.multi_reduction <add>, %mul3A_71, %reduce_sum3A_72 [0] : vector<32x8192xf32> to vector<8192xf32>
      %broadcast_in_dim3A_74 = vector.shape_cast %reduce_sum3A_73 : vector<8192xf32> to vector<1x8192xf32>
      %swap3A_75 = arith.constant 0 : index
      %swap3A_76 = arith.constant 0 : index
      %swap3A_77 = vector.load %arg8[%swap3A_75, %swap3A_76] : memref<1x8192xf32, #tpu.memory_space<vmem>>, vector<1x8192xf32>
      tpu.vector_store %arg8[%swap3A_75, %swap3A_76], %broadcast_in_dim3A_74 {strides = array<i32>} : memref<1x8192xf32, #tpu.memory_space<vmem>>, vector<1x8192xf32>,
      %broadcast_in_dim3A_78 = arith.constant 0.000000e+00 : f32
      %broadcast_in_dim3A_79 = vector.broadcast %broadcast_in_dim3A_78 : f32 to vector<1x8192xf32>
      %swap3A_80 = arith.constant 0 : index
      %swap3A_81 = arith.constant 0 : index
      %swap3A_82 = vector.load %arg7[%swap3A_80, %swap3A_81] : memref<1x8192xf32, #tpu.memory_space<vmem>>, vector<1x8192xf32>
      tpu.vector_store %arg7[%swap3A_80, %swap3A_81], %broadcast_in_dim3A_79 {strides = array<i32>} : memref<1x8192xf32, #tpu.memory_space<vmem>>, vector<1x8192xf32>,
      %swap3A_83 = arith.constant 0.000000e+00 : f32
      %swap3A_84 = arith.constant 0 : index
      %swap3A_85 = arith.constant 0 : index
      %swap3A_86 = memref.load %arg9[%swap3A_84, %swap3A_85] : memref<1x1xf32, #tpu.memory_space<smem>>
      memref.store %swap3A_83, %arg9[%swap3A_84, %swap3A_85] : memref<1x1xf32, #tpu.memory_space<smem>>
    } else {
    }
    %get3A = arith.constant 0 : index
    %get3A_2 = arith.constant 0 : index
    %get3A_3 = vector.load %arg1[%get3A, %get3A_2] : memref<512x32xf32, #tpu.memory_space<vmem>>, vector<512x32xf32>
    %mul3A = arith.constant 2.000000e+00 : f32
    %mul3A_4 = vector.broadcast %mul3A : f32 to vector<512x32xf32>
    %mul3A_5 = arith.mulf %mul3A_4, %get3A_3 : vector<512x32xf32>
    %mul3A_6 = arith.mulf %mul3A_5, %mul3A_5 : vector<512x32xf32>
    %reduce_sum3A = arith.constant dense<0.000000e+00> : vector<512xf32>
    %reduce_sum3A_7 = vector.multi_reduction <add>, %mul3A_6, %reduce_sum3A [1] : vector<512x32xf32> to vector<512xf32>
    %broadcast_in_dim3A = vector.shape_cast %reduce_sum3A_7 : vector<512xf32> to vector<512x1xf32>
    %mul3A_8 = arith.constant 2.500000e-01 : f32
    %mul3A_9 = vector.broadcast %mul3A_8 : f32 to vector<512x1xf32>
    %mul3A_10 = arith.mulf %mul3A_9, %broadcast_in_dim3A : vector<512x1xf32>
    %get3A_11 = arith.constant 0 : index
    %get3A_12 = arith.constant 0 : index
    %get3A_13 = vector.load %arg2[%get3A_11, %get3A_12] : memref<32x8192xf32, #tpu.memory_space<vmem>>, vector<32x8192xf32>
    %dot_general3A = arith.constant dense<0.000000e+00> : vector<512x8192xf32>
    %dot_general3A_14 = tpu.matmul %mul3A_5, %get3A_13, %dot_general3A {dimension_numbers = #tpu.dot_dimension_numbers<[1], [0], [0], [1], [0, 0, 1, 1], [], []>, transpose_lhs_hint = false} : vector<512x32xf32>, vector<32x8192xf32>, vector<512x8192xf32> -> vector<512x8192xf32>
    %sub3A = vector.broadcast %mul3A_10 : vector<512x1xf32> to vector<512x8192xf32>
    %sub3A_15 = arith.subf %sub3A, %dot_general3A_14 : vector<512x8192xf32>
    %get3A_16 = arith.constant 0 : index
    %get3A_17 = arith.constant 0 : index
    %get3A_18 = vector.load %arg8[%get3A_16, %get3A_17] : memref<1x8192xf32, #tpu.memory_space<vmem>>, vector<1x8192xf32>
    %add3A = vector.broadcast %get3A_18 : vector<1x8192xf32> to vector<512x8192xf32>
    %add3A_19 = arith.addf %sub3A_15, %add3A : vector<512x8192xf32>
    %reduce_min3A = arith.constant dense<0x7F800000> : vector<512xf32>
    %reduce_min3A_20 = vector.multi_reduction <minimumf>, %add3A_19, %reduce_min3A [1] : vector<512x8192xf32> to vector<512xf32>
    %broadcast_in_dim3A_21 = vector.shape_cast %reduce_min3A_20 : vector<512xf32> to vector<512x1xf32>
    %iota3A = tpu.iota {dimensions = array<i32: 1>} : vector<1x8192xi32>
    %eq3A_22 = vector.broadcast %broadcast_in_dim3A_21 : vector<512x1xf32> to vector<512x8192xf32>
    %eq3A_23 = arith.cmpf oeq, %add3A_19, %eq3A_22 : vector<512x8192xf32>
    %jit3A = arith.constant 8192 : i32
    %broadcast_in_dim3A_24 = vector.shape_cast %iota3A : vector<1x8192xi32> to vector<1x8192xi32>
    %broadcast_in_dim3A_25 = vector.broadcast %broadcast_in_dim3A_24 : vector<1x8192xi32> to vector<512x8192xi32>
    %broadcast_in_dim3A_26 = vector.broadcast %jit3A : i32 to vector<512x8192xi32>
    %select_n3A = arith.select %eq3A_23, %broadcast_in_dim3A_25, %broadcast_in_dim3A_26 : vector<512x8192xi1>, vector<512x8192xi32>
    %reduce_min3A_27 = arith.constant dense<2147483647> : vector<512xi32>
    %reduce_min3A_28 = vector.multi_reduction <minsi>, %select_n3A, %reduce_min3A_27 [1] : vector<512x8192xi32> to vector<512xi32>
    %broadcast_in_dim3A_29 = vector.shape_cast %reduce_min3A_28 : vector<512xi32> to vector<512x1xi32>
    %sub3A_30 = vector.broadcast %broadcast_in_dim3A_21 : vector<512x1xf32> to vector<512x8192xf32>
    %sub3A_31 = arith.subf %sub3A_30, %add3A_19 : vector<512x8192xf32>
    %exp3A = math.exp %sub3A_31 : vector<512x8192xf32>
    %reduce_sum3A_32 = arith.constant dense<0.000000e+00> : vector<512xf32>
    %reduce_sum3A_33 = vector.multi_reduction <add>, %exp3A, %reduce_sum3A_32 [1] : vector<512x8192xf32> to vector<512xf32>
    %broadcast_in_dim3A_34 = vector.shape_cast %reduce_sum3A_33 : vector<512xf32> to vector<512x1xf32>
    %div3A = arith.constant 1.000000e+00 : f32
    %div3A_35 = vector.broadcast %div3A : f32 to vector<512x1xf32>
    %div3A_36 = arith.divf %div3A_35, %broadcast_in_dim3A_34 : vector<512x1xf32>
    %transpose3A = tpu.transpose %div3A_36, [1, 0] : vector<512x1xf32> -> vector<1x512xf32>
    %get3A_37 = arith.constant 0 : index
    %get3A_38 = arith.constant 0 : index
    %get3A_39 = vector.load %arg7[%get3A_37, %get3A_38] : memref<1x8192xf32, #tpu.memory_space<vmem>>, vector<1x8192xf32>
    %dot_general3A_40 = arith.constant dense<0.000000e+00> : vector<1x8192xf32>
    %dot_general3A_41 = tpu.matmul %transpose3A, %exp3A, %dot_general3A_40 {dimension_numbers = #tpu.dot_dimension_numbers<[1], [0], [0], [1], [0, 0, 1, 1], [], []>, transpose_lhs_hint = false} : vector<1x512xf32>, vector<512x8192xf32>, vector<1x8192xf32> -> vector<1x8192xf32>
    %add3A_42 = arith.addf %get3A_39, %dot_general3A_41 : vector<1x8192xf32>
    %swap3A = arith.constant 0 : index
    %swap3A_43 = arith.constant 0 : index
    %swap3A_44 = vector.load %arg7[%swap3A, %swap3A_43] : memref<1x8192xf32, #tpu.memory_space<vmem>>, vector<1x8192xf32>
    tpu.vector_store %arg7[%swap3A, %swap3A_43], %add3A_42 {strides = array<i32>} : memref<1x8192xf32, #tpu.memory_space<vmem>>, vector<1x8192xf32>,
    %swap3A_45 = arith.constant 0 : index
    %swap3A_46 = arith.constant 0 : index
    %swap3A_47 = vector.load %arg4[%swap3A_45, %swap3A_46] : memref<512x1xi32, #tpu.memory_space<vmem>>, vector<512x1xi32>
    tpu.vector_store %arg4[%swap3A_45, %swap3A_46], %broadcast_in_dim3A_29 {strides = array<i32>} : memref<512x1xi32, #tpu.memory_space<vmem>>, vector<512x1xi32>,
    %get3A_48 = arith.constant 0 : index
    %get3A_49 = arith.constant 0 : index
    %get3A_50 = memref.load %arg9[%get3A_48, %get3A_49] : memref<1x1xf32, #tpu.memory_space<smem>>
    %reduce_sum3A_51 = vector.shape_cast %broadcast_in_dim3A_21 : vector<512x1xf32> to vector<1x512x1xf32>
    %reduce_sum3A_52 = arith.constant dense<0.000000e+00> : vector<1xf32>
    %reduce_sum3A_53 = vector.multi_reduction <add>, %reduce_sum3A_51, %reduce_sum3A_52 [1, 2] : vector<1x512x1xf32> to vector<1xf32>
    %reduce_sum3A_54 = vector.shape_cast %reduce_sum3A_53 : vector<1xf32> to vector<1x1x1xf32>
    %reduce_sum3A_55 = vector.extract %reduce_sum3A_54[0, 0, 0] : f32 from vector<1x1x1xf32>
    %add3A_56 = arith.addf %get3A_50, %reduce_sum3A_55 : f32
    %swap3A_57 = arith.constant 0 : index
    %swap3A_58 = arith.constant 0 : index
    %swap3A_59 = memref.load %arg9[%swap3A_57, %swap3A_58] : memref<1x1xf32, #tpu.memory_space<smem>>
    memref.store %add3A_56, %arg9[%swap3A_57, %swap3A_58] : memref<1x1xf32, #tpu.memory_space<smem>>
    %eq3A_60 = arith.constant 15 : i32
    %eq3A_61 = arith.cmpi eq, %arg0, %eq3A_60 : i32
    %convert_element_type3A_62 = arith.extui %eq3A_61 : i1 to i32
    %cond3A_63 = arith.constant 0 : i32
    %cond3A_64 = arith.cmpi ne, %convert_element_type3A_62, %cond3A_63 : i32
    scf.if %cond3A_64 {
      %get3A_65 = arith.constant 0 : index
      %get3A_66 = arith.constant 0 : index
      %get3A_67 = vector.load %arg7[%get3A_65, %get3A_66] : memref<1x8192xf32, #tpu.memory_space<vmem>>, vector<1x8192xf32>
      %div3A_68 = arith.constant 8.192000e+03 : f32
      %div3A_69 = vector.broadcast %div3A_68 : f32 to vector<1x8192xf32>
      %div3A_70 = arith.divf %get3A_67, %div3A_69 : vector<1x8192xf32>
      %add3A_71 = arith.constant 1.000000e-10 : f32
      %add3A_72 = vector.broadcast %add3A_71 : f32 to vector<1x8192xf32>
      %add3A_73 = arith.addf %div3A_70, %add3A_72 : vector<1x8192xf32>
      %log3A = math.log %add3A_73 : vector<1x8192xf32>
      %mul3A_74 = arith.mulf %div3A_70, %log3A : vector<1x8192xf32>
      %reduce_sum3A_75 = vector.shape_cast %mul3A_74 : vector<1x8192xf32> to vector<1x1x8192xf32>
      %reduce_sum3A_76 = arith.constant dense<0.000000e+00> : vector<1xf32>
      %reduce_sum3A_77 = vector.multi_reduction <add>, %reduce_sum3A_75, %reduce_sum3A_76 [1, 2] : vector<1x1x8192xf32> to vector<1xf32>
      %reduce_sum3A_78 = vector.shape_cast %reduce_sum3A_77 : vector<1xf32> to vector<1x1x1xf32>
      %reduce_sum3A_79 = vector.extract %reduce_sum3A_78[0, 0, 0] : f32 from vector<1x1x1xf32>
      %neg3A = arith.constant 0.000000e+00 : f32
      %neg3A_80 = arith.subf %neg3A, %reduce_sum3A_79 : f32
      %neg3A_81 = arith.constant 0.000000e+00 : f32
      %neg3A_82 = arith.subf %neg3A_81, %neg3A_80 : f32
      %div3A_83 = arith.constant 9.01091289 : f32
      %div3A_84 = arith.divf %neg3A_82, %div3A_83 : f32
      %get3A_85 = arith.constant 0 : index
      %get3A_86 = arith.constant 0 : index
      %get3A_87 = memref.load %arg9[%get3A_85, %get3A_86] : memref<1x1xf32, #tpu.memory_space<smem>>
      %mul3A_88 = arith.constant 8.192000e+03 : f32
      %mul3A_89 = arith.constant 3.200000e+01 : f32
      %mul3A_90 = arith.mulf %mul3A_88, %mul3A_89 : f32
      %div3A_91 = arith.divf %get3A_87, %mul3A_90 : f32
      %iota3A_92 = tpu.iota {dimensions = array<i32: 1>} : vector<1x8xi32>
      %le3A = arith.constant 1 : i32
      %le3A_93 = vector.broadcast %le3A : i32 to vector<1x8xi32>
      %le3A_94 = arith.cmpi sle, %iota3A_92, %le3A_93 : vector<1x8xi32>
      %convert_element_type3A_95 = arith.extui %le3A_94 : vector<1x8xi1> to vector<1x8xi32>
      %convert_element_type3A_96 = arith.sitofp %convert_element_type3A_95 : vector<1x8xi32> to vector<1x8xf32>
      %mul3A_97 = vector.broadcast %div3A_91 : f32 to vector<1x8xf32>
      %mul3A_98 = arith.mulf %mul3A_97, %convert_element_type3A_96 : vector<1x8xf32>
      %eq3A_99 = arith.constant 2 : i32
      %eq3A_100 = vector.broadcast %eq3A_99 : i32 to vector<1x8xi32>
      %eq3A_101 = arith.cmpi eq, %iota3A_92, %eq3A_100 : vector<1x8xi32>
      %convert_element_type3A_102 = arith.extui %eq3A_101 : vector<1x8xi1> to vector<1x8xi32>
      %convert_element_type3A_103 = arith.sitofp %convert_element_type3A_102 : vector<1x8xi32> to vector<1x8xf32>
      %mul3A_104 = vector.broadcast %div3A_84 : f32 to vector<1x8xf32>
      %mul3A_105 = arith.mulf %mul3A_104, %convert_element_type3A_103 : vector<1x8xf32>
      %add3A_106 = arith.addf %mul3A_98, %mul3A_105 : vector<1x8xf32>
      %eq3A_107 = arith.constant 3 : i32
      %eq3A_108 = vector.broadcast %eq3A_107 : i32 to vector<1x8xi32>
      %eq3A_109 = arith.cmpi eq, %iota3A_92, %eq3A_108 : vector<1x8xi32>
      %convert_element_type3A_110 = arith.extui %eq3A_109 : vector<1x8xi1> to vector<1x8xi32>
      %convert_element_type3A_111 = arith.sitofp %convert_element_type3A_110 : vector<1x8xi32> to vector<1x8xf32>
      %mul3A_112 = vector.broadcast %neg3A_80 : f32 to vector<1x8xf32>
      %mul3A_113 = arith.mulf %mul3A_112, %convert_element_type3A_111 : vector<1x8xf32>
      %add3A_114 = arith.addf %add3A_106, %mul3A_113 : vector<1x8xf32>
      %swap3A_115 = arith.constant 0 : index
      %swap3A_116 = arith.constant 0 : index
      %swap3A_117 = vector.load %arg5[%swap3A_115, %swap3A_116] : memref<1x8xf32, #tpu.memory_space<vmem>>, vector<1x8xf32>
      tpu.vector_store %arg5[%swap3A_115, %swap3A_116], %add3A_114 {strides = array<i32>} : memref<1x8xf32, #tpu.memory_space<vmem>>, vector<1x8xf32>,
      %get3A_118 = arith.constant 0 : index
      %get3A_119 = arith.constant 0 : index
      %get3A_120 = vector.load %arg3[%get3A_118, %get3A_119] : memref<1x8192xf32, #tpu.memory_space<vmem>>, vector<1x8192xf32>
      %gt3A = arith.constant 1.000000e+00 : f32
      %gt3A_121 = vector.broadcast %gt3A : f32 to vector<1x8192xf32>
      %gt3A_122 = arith.cmpf ogt, %get3A_120, %gt3A_121 : vector<1x8192xf32>
      %convert_element_type3A_123 = arith.extui %gt3A_122 : vector<1x8192xi1> to vector<1x8192xi32>
      %reduce_sum3A_124 = vector.shape_cast %convert_element_type3A_123 : vector<1x8192xi32> to vector<1x1x8192xi32>
      %reduce_sum3A_125 = arith.constant dense<0> : vector<1xi32>
      %reduce_sum3A_126 = vector.multi_reduction <add>, %reduce_sum3A_124, %reduce_sum3A_125 [1, 2] : vector<1x1x8192xi32> to vector<1xi32>
      %reduce_sum3A_127 = vector.shape_cast %reduce_sum3A_126 : vector<1xi32> to vector<1x1x1xi32>
      %reduce_sum3A_128 = vector.extract %reduce_sum3A_127[0, 0, 0] : i32 from vector<1x1x1xi32>
      %broadcast_in_dim3A_129 = vector.broadcast %reduce_sum3A_128 : i32 to vector<1x1xi32>
      %swap3A_130 = arith.constant 0 : index
      %swap3A_131 = arith.constant 0 : index
      %swap3A_132 = vector.load %arg6[%swap3A_130, %swap3A_131] : memref<1x1xi32, #tpu.memory_space<vmem>>, vector<1x1xi32>
      tpu.vector_store %arg6[%swap3A_130, %swap3A_131], %broadcast_in_dim3A_129 {strides = array<i32>} : memref<1x1xi32, #tpu.memory_space<vmem>>, vector<1x1xi32>,
    } else {
    }
    return
  }
  func.func @transform_0(%arg0: i32) -> (i32, i32) {
    %c0_i32 = arith.constant 0 : i32
    %c0_i32_0 = arith.constant 0 : i32
    return %arg0, %c0_i32 : i32, i32
  }
  func.func @transform_1(%arg0: i32) -> (i32, i32) {
    %c0_i32 = arith.constant 0 : i32
    %c0_i32_0 = arith.constant 0 : i32
    %c0_i32_1 = arith.constant 0 : i32
    return %c0_i32, %c0_i32_0 : i32, i32
  }
  func.func @transform_2(%arg0: i32) -> (i32, i32) {
    %c0_i32 = arith.constant 0 : i32
    %c0_i32_0 = arith.constant 0 : i32
    %c0_i32_1 = arith.constant 0 : i32
    return %c0_i32, %c0_i32_0 : i32, i32
  }
  func.func @transform_3(%arg0: i32) -> (i32, i32) {
    %c0_i32 = arith.constant 0 : i32
    %c0_i32_0 = arith.constant 0 : i32
    return %arg0, %c0_i32 : i32, i32
  }
  func.func @transform_4(%arg0: i32) -> (i32, i32) {
    %c0_i32 = arith.constant 0 : i32
    %c0_i32_0 = arith.constant 0 : i32
    %c0_i32_1 = arith.constant 0 : i32
    return %c0_i32, %c0_i32_0 : i32, i32
  }
  func.func @transform_5(%arg0: i32) -> (i32, i32) {
    %c0_i32 = arith.constant 0 : i32
    %c0_i32_0 = arith.constant 0 : i32
    %c0_i32_1 = arith.constant 0 : i32
    return %c0_i32, %c0_i32_0 : i32, i32
  }
}

module attributes {stable_mosaic.version = 14 : i64} {
  func.func @_perp_kernel(%arg0: memref<2x8192xf32, #tpu.memory_space<vmem>>, %arg1: memref<1x8xf32, #tpu.memory_space<vmem>>, %arg2: memref<1x8xf32, #tpu.memory_space<vmem>>) attributes {dimension_semantics = [], scalar_prefetch = 0 : i64, scratch_operands = 0 : i64, tpu.core_type = #tpu.core_type<tc>} {
    %get3A = arith.constant 0 : index
    %get3A_0 = arith.constant 0 : index
    %get3A_1 = vector.load %arg0[%get3A, %get3A_0] : memref<2x8192xf32, #tpu.memory_space<vmem>>, vector<1x8192xf32>
    %get3A_2 = arith.constant 1 : index
    %get3A_3 = arith.constant 0 : index
    %get3A_4 = vector.load %arg0[%get3A_2, %get3A_3] : memref<2x8192xf32, #tpu.memory_space<vmem>>, vector<1x8192xf32>
    %add3A = arith.addf %get3A_1, %get3A_4 : vector<1x8192xf32>
    %div3A = arith.constant 8.192000e+03 : f32
    %div3A_5 = vector.broadcast %div3A : f32 to vector<1x8192xf32>
    %div3A_6 = arith.divf %add3A, %div3A_5 : vector<1x8192xf32>
    %add3A_7 = arith.constant 1.000000e-10 : f32
    %add3A_8 = vector.broadcast %add3A_7 : f32 to vector<1x8192xf32>
    %add3A_9 = arith.addf %div3A_6, %add3A_8 : vector<1x8192xf32>
    %log3A = math.log %add3A_9 : vector<1x8192xf32>
    %mul3A = arith.mulf %div3A_6, %log3A : vector<1x8192xf32>
    %reduce_sum3A = vector.shape_cast %mul3A : vector<1x8192xf32> to vector<1x1x8192xf32>
    %reduce_sum3A_10 = arith.constant dense<0.000000e+00> : vector<1xf32>
    %reduce_sum3A_11 = vector.multi_reduction <add>, %reduce_sum3A, %reduce_sum3A_10 [1, 2] : vector<1x1x8192xf32> to vector<1xf32>
    %reduce_sum3A_12 = vector.shape_cast %reduce_sum3A_11 : vector<1xf32> to vector<1x1x1xf32>
    %reduce_sum3A_13 = vector.extract %reduce_sum3A_12[0, 0, 0] : f32 from vector<1x1x1xf32>
    %neg3A = arith.constant 0.000000e+00 : f32
    %neg3A_14 = arith.subf %neg3A, %reduce_sum3A_13 : f32
    %exp3A = math.exp %neg3A_14 : f32
    %iota3A = tpu.iota {dimensions = array<i32: 1>} : vector<1x8xi32>
    %eq3A = arith.constant 4 : i32
    %eq3A_15 = vector.broadcast %eq3A : i32 to vector<1x8xi32>
    %eq3A_16 = arith.cmpi eq, %iota3A, %eq3A_15 : vector<1x8xi32>
    %get3A_17 = arith.constant 0 : index
    %get3A_18 = arith.constant 0 : index
    %get3A_19 = vector.load %arg1[%get3A_17, %get3A_18] : memref<1x8xf32, #tpu.memory_space<vmem>>, vector<1x8xf32>
    %broadcast_in_dim3A = vector.broadcast %exp3A : f32 to vector<1x8xf32>
    %select_n3A = arith.select %eq3A_16, %broadcast_in_dim3A, %get3A_19 : vector<1x8xi1>, vector<1x8xf32>
    %swap3A = arith.constant 0 : index
    %swap3A_20 = arith.constant 0 : index
    %swap3A_21 = vector.load %arg2[%swap3A, %swap3A_20] : memref<1x8xf32, #tpu.memory_space<vmem>>, vector<1x8xf32>
    tpu.vector_store %arg2[%swap3A, %swap3A_20], %select_n3A {strides = array<i32>} : memref<1x8xf32, #tpu.memory_space<vmem>>, vector<1x8xf32>,
    return
  }
}

</mosaic_0001>

<sc_bundles>
// kernel: kernel.5.cloned.1.call-start
scs
__scs_entry_jumppad:
0x0: {  	(pc) =	sbr.rel $0x88, $3  }
0x1: {  	(tag) =	ssettag $0x0;
	lr =	simm.s32 $0x1  }
0x2: {  	[smem:$0x3F9E] =	sst lr;
	_ =	strace $0xD0000000  }
0x3: {  	_ = 	snop  }
0x4: {  	_ = 	snop  }
0x5: {  	_ = 	snop  }
0x6: {  	_ = 	snop  }
0x7: {  	_ = 	snop  }
__scs_overlays_trampoline_lowered:
0x8: {  	[smem:$0x3FAD] =	sst s0  }
0x9: {  	[smem:$0x3FAE] =	sst s1  }
0xa: {  	[smem:$0x3FAF] =	sst s2  }
0xb: {  	[smem:$0x3FB0] =	sst s3  }
0xc: {  	[smem:$0x3FB1] =	sst s4  }
0xd: {  	[smem:$0x3FB2] =	sst s5  }
0xe: {  	[smem:$0x3FB3] =	sst s6  }
0xf: {  	[smem:$0x3FB4] =	sst s7  }
0x10: {  	[smem:$0x3FB5] =	sst s8  }
0x11: {  	[smem:$0x3FB6] =	sst s9;
	s0 =	simm.s32 @!p0 $0x0  }
0x12: {  	s1 =	sld [smem:$0x3F9C];
	s0 =	simm.s32 @p0 $0x1  }
0x13: {  	[smem:$0x3FB7] =	sst s0;
	s0 =	simm.s32 @!p1 $0x0  }
0x14: {  	s2 =	sld [smem:$0x3F9B];
	s0 =	simm.s32 @p1 $0x1  }
0x15: {  	[smem:$0x3FB8] =	sst s0;
	s0 =	simm.s32 @!p2 $0x0  }
0x16: {  	s3 =	sld [smem:$0x3FDB];
	s0 =	simm.s32 @p2 $0x1  }
0x17: {  	s4 =	simm.s32 $0x1BF5;
	[smem:$0x3FBA] =	sst s0  }
0x18: {  	s0 =	sld [smem:$0x3F9D];
	_ =	swait.ge [sflag:s4], $0x0  }
0x19: {  	s7 =	sld [smem:$0x3F9E]  }
0x1a: {  	s8 =	sadd.s32 $0xFFFFE003, lr  }
0x1b: {  	s9 =	sadd.s32 $0xFFFFFEF7, lr;
	s5 =	simm.s32 $0xFFFFFFFF;
	p2 =	slt.u32 s8, $0xFFFFF086  }
0x1c: {  	p1 =	slt.u32 s9, $0xF7A;
	s5 =	simm.s32 @!p2 $0x0  }
0x1d: {  	s5 =	simm.s32 @p1 $0x1;
	p0 =	seq.s32 s7, s2  }
0x1e: {  	s7 =	smul.u32 @!p0 $0xF7A, s2;
	p2 =	seq.s32 @!p0 s5, $0x0  }
0x1f: {  	s9 =	smul.u32 $0xF7A, s1;
	s8 =	simm.s32 @!p0 $0x1BF5;
	p2 =	por !p2, p0  }
0x20: {  	[sflag:s8] =	ssyncset.s32 @!p0 $0xFFFFF086;
	s6 =	sadd.s32 @!p0 s3, s7;
	s7 =	simm.s32 @!p0 $0x108  }
0x21: {  	s3 =	sadd.s32 s3, s9;
	s6 =	sadd.s32 @!p0 $0x88, s6;
	s7 =	simm.s32 @p2 $0x1082  }
0x22: {  	[simem:s7], [sflag:s8] =	dma.local @!p0 [hbm:s6], $0xF7A  }
0x23: {  	s9 =	sor.u32 $0xD0000000, s2;
	s6 =	simm.s32 $0x108;
	_ =	swait.ge @!p0 [sflag:s8], $0x0  }
0x24: {  	s3 =	sadd.s32 $0x88, s3;
	s6 =	simm.s32 @!p1 $0x1082;
	[sflag:s4] =	ssyncset.s32 $0xFFFFF086  }
0x25: {  	[simem:s6], [sflag:s4] =	dma.local [hbm:s3], $0xF7A  }
0x26: {  	[smem:$0x3F9E] =	sst s1;
	(tag) =	ssettag s2;
	_ =	strace s9  }
0x27: {  	s1 =	sld [smem:$0x3FAE]  }
0x28: {  	s2 =	sld [smem:$0x3FAF]  }
0x29: {  	s4 =	sld [smem:$0x3FB1]  }
0x2a: {  	p0 =	seq.s32 s5, $0x0;
	s5 =	sld [smem:$0x3FB2]  }
0x2b: {  	s6 =	sld [smem:$0x3FB3]  }
0x2c: {  	s7 =	sld [smem:$0x3FB4]  }
0x2d: {  	s3 =	simm.s32 $0x108;
	s8 =	sld [smem:$0x3FB5]  }
0x2e: {  	s3 =	simm.s32 @!p0 $0x1082;
	s9 =	sld [smem:$0x3FB6]  }
0x2f: {  	lr =	sadd.s32 s0, s3;
	s0 =	sld [smem:$0x3FAD]  }
0x30: {  	s3 =	sld [smem:$0x3FB0]  }
0x31: {  	[smem:$0x3FB9] =	sst s10  }
0x32: {  	s10 =	sld [smem:$0x3FB7];
	_ =	sdelay $0x3  }
0x33: {  	p0 =	seq.s32 s10, $0x1;
	s10 =	sld [smem:$0x3FB9];
	_ =	sdelay $0x3  }
0x34: {  	[smem:$0x3FB9] =	sst s10  }
0x35: {  	s10 =	sld [smem:$0x3FB8];
	_ =	sdelay $0x3  }
0x36: {  	p1 =	seq.s32 s10, $0x1;
	s10 =	sld [smem:$0x3FB9];
	_ =	sdelay $0x3  }
0x37: {  	[smem:$0x3FB9] =	sst s10  }
0x38: {  	s10 =	sld [smem:$0x3FBA]  }
0x39: {  	_ = 	snop;
	(pc) =	sbr.ind lr, $3  }
0x3a: {  	_ = 	snop  }
0x3b: {  	_ = 	snop  }
0x3c: {  	p2 =	seq.s32 s10, $0x1;
	s10 =	sld [smem:$0x3FB9]  }
0x3d: {  	_ =	shalt  }
0x3e: {  	_ =	shalt  }
0x3f: {  	_ =	shalt  }
0x40: {  	_ =	shalt  }
0x41: {  	_ =	shalt  }
0x42: {  	_ =	shalt  }
0x43: {  	_ =	shalt  }
0x44: {  	_ =	shalt  }
0x45: {  	_ =	shalt  }
0x46: {  	_ =	shalt  }
0x47: {  	_ =	shalt  }
0x48: {  	_ =	shalt  }
0x49: {  	_ =	shalt  }
0x4a: {  	_ =	shalt  }
0x4b: {  	_ =	shalt  }
0x4c: {  	_ =	shalt  }
0x4d: {  	_ =	shalt  }
0x4e: {  	_ =	shalt  }
0x4f: {  	_ =	shalt  }
0x50: {  	_ =	shalt  }
0x51: {  	_ =	shalt  }
0x52: {  	_ =	shalt  }
0x53: {  	_ =	shalt  }
0x54: {  	_ =	shalt  }
0x55: {  	_ =	shalt  }
0x56: {  	_ =	shalt  }
0x57: {  	_ =	shalt  }
0x58: {  	_ =	shalt  }
0x59: {  	_ =	shalt  }
0x5a: {  	_ =	shalt  }
0x5b: {  	_ =	shalt  }
0x5c: {  	_ =	shalt  }
0x5d: {  	_ =	shalt  }
0x5e: {  	_ =	shalt  }
0x5f: {  	_ =	shalt  }
0x60: {  	_ =	shalt  }
0x61: {  	_ =	shalt  }
0x62: {  	_ =	shalt  }
0x63: {  	_ =	shalt  }
0x64: {  	_ =	shalt  }
0x65: {  	_ =	shalt  }
0x66: {  	_ =	shalt  }
0x67: {  	_ =	shalt  }
0x68: {  	_ =	shalt  }
0x69: {  	_ =	shalt  }
0x6a: {  	_ =	shalt  }
0x6b: {  	_ =	shalt  }
0x6c: {  	_ =	shalt  }
0x6d: {  	_ =	shalt  }
0x6e: {  	_ =	shalt  }
0x6f: {  	_ =	shalt  }
0x70: {  	_ =	shalt  }
0x71: {  	_ =	shalt  }
0x72: {  	_ =	shalt  }
0x73: {  	_ =	shalt  }
0x74: {  	_ =	shalt  }
0x75: {  	_ =	shalt  }
0x76: {  	_ =	shalt  }
0x77: {  	_ =	shalt  }
0x78: {  	_ =	shalt  }
0x79: {  	_ =	shalt  }
0x7a: {  	_ =	shalt  }
0x7b: {  	_ =	shalt  }
0x7c: {  	_ =	shalt  }
0x7d: {  	_ =	shalt  }
0x7e: {  	_ =	shalt  }
0x7f: {  	_ =	shalt  }
0x80: {  	_ =	shalt  }
0x81: {  	_ =	shalt  }
0x82: {  	_ =	shalt  }
0x83: {  	_ =	shalt  }
0x84: {  	_ =	shalt  }
0x85: {  	_ =	shalt  }
0x86: {  	_ =	shalt  }
0x87: {  	_ =	shalt  }
.Lfunc_end0:
.L_simem_size_0:
called_computation_lowered:
.L_overlay_start_0:
0x88: {  	s2 =	sld [smem:$0x3FD9]  }
0x89: {  	s3 =	sld [smem:$0x3FFE];
	_ =	sdelay $0x1  }
0x8a: {  	s1 =	srdreg.scid  }
0x8b: {  	s0 =	sand.u32 $0x1, s1  }
0x8c: {  	s14 =	sshll.u32 s0, $0xA;
	s2 =	sadd.s32 s3, s2  }
0x8d: {  	s2 =	sadd.s32 s2, s14  }
0x8e: {  	[smem:$0x3FC5] =	sst s2  }
0x8f: {  	_ = 	snop  }
0x90: {  	s2 =	sld [smem:$0x3FD0];
	_ =	sdelay $0x2  }
0x91: {  	s15 =	simm.s32 $0xA;
	s4 =	simm.s32 $0x10  }
0x92: {  	[smem:s4], [sflag:s15] =	dma.local [hbm:s2], $0x1  }
0x93: {  	_ =	swait.eq [sflag:s15], $0x1  }
0x94: {  	[sflag:s15] =	ssyncset.done $0x0  }
0x95: {  	[sflag:s15] =	ssyncadd.s32 $0xFFFFFFFF  }
0x96: {  	s16 =	sld [smem:$0x10];
	(tm) =	ssettm $0x1  }
0x97: {  	s17 =	sld [smem:$0x3FFB];
	_ =	sdelay $0x3  }
0x98: {  	_ =	strace s17  }
0x99: {  	s3 =	sld [smem:$0x3FFC];
	_ =	sdelay $0x3  }
0x9a: {  	_ =	strace s3  }
0x9b: {  	s3 =	sld [smem:$0x3FFD];
	_ =	sdelay $0x3  }
0x9c: {  	_ =	strace s3  }
0x9d: {  	_ =	strace $0x8FFFFFFF  }
0x9e: {  	s18 =	sld [smem:$0x3FDB];
	_ =	sdelay $0x1  }
0x9f: {  	s19 =	simm.s32 $_scs_section_size  }
0xa0: {  	s5 =	simm.s32 $_size__tile_overlayer_lowered;
	s6 =	simm.s32 $_tile_overlayer_lowered  }
0xa1: {  	s22 =	simm.s32 $0x1BFF;
	s21 =	sshll.u32 s6, $0x1;
	s3 =	sadd.s32 s19, s18  }
0xa2: {  	s7 =	simm.s32 $0x0;
	s20 =	sshll.u32 s5, $0x1;
	s5 =	sadd.s32 s21, s3  }
0xa3: {  	[timem:s7], [sflag:s22] =	dma.local [hbm:s5], s20  }
0xa4: {  	_ =	swait.ge [sflag:s22], s20  }
0xa5: {  	s4 =	ssub.s32 $0x0, s20;
	[sflag:s22] =	ssyncset.done $0x0  }
0xa6: {  	[sflag:s22] =	ssyncadd.s32 s4;
	_ =	sdelay $0x1  }
0xa7: {  	s23 =	simm.s32 $0x1B8B  }
0xa8: {  	_ =	swait.ge [sflag:s23], $0x1  }
0xa9: {  	[sflag:s23] =	ssyncset.done $0x0  }
0xaa: {  	s25 =	simm.s32 $0x1B8E;
	s24 =	sld [smem:$0x3FFE];
	[sflag:s23] =	ssyncadd.s32 $0xFFFFFFFF  }
0xab: {  	s26 =	simm.s32 $execute0_lowered;
	[smem:$0x3FD2] =	sst s25  }
0xac: {  	s5 =	sshll.u32 s26, $0x1;
	_ =	strace $0x80000046;
	[dreg:$0x1] =	wrdreg $0xFFFFFFFF  }
0xad: {  	s28 =	simm.s32 $_size_execute0_lowered;
	s3 =	sadd.s32 s3, s5;
	[dreg:$0x0] =	wrdreg $0x0  }
0xae: {  	s5 =	sshll.u32 s28, $0x1;
	[dreg:$0x2] =	wrdreg s3  }
0xaf: {  	[dreg:$0x3] =	wrdreg s5  }
0xb0: {  	[dreg:$0x4] =	wrdreg $0xC0  }
0xb1: {  	_ =	task [dreg:s7], $0x5FFFF  }
0xb2: {  	[dreg:$0x1] =	wrdreg $0xFFFFFFFF  }
0xb3: {  	[dreg:$0x0] =	wrdreg $0x60  }
0xb4: {  	[dreg:$0x2] =	wrdreg s16  }
0xb5: {  	[dreg:$0x3] =	wrdreg s24  }
0xb6: {  	[dreg:$0x4] =	wrdreg $0x22000  }
0xb7: {  	[dreg:$0x5] =	wrdreg $0x9  }
0xb8: {  	_ =	task.clear_ibuf [dreg:s7], $0x6FFFF;
	_ =	strace $0x90000046  }
0xb9: {  	s29 =	simm.s32 $0x9;
	_ =	strace $0x80000048  }
0xba: {  	_ =	swait.ge [sflag:s29], $0x1  }
0xbb: {  	[sflag:s29] =	ssyncadd.s32 $0xFFFFFFFF  }
0xbc: {  	_ =	strace $0x90000048  }
0xbd: {  	_ =	sfence  }
0xbe: {  	s30 =	sld [smem:$0x0];
	_ =	sdelay $0x2  }
0xbf: {  	s31 =	sshll.u32 s1, $0xD;
	s1 =	sshrl.u32 s1, $0x2  }
0xc0: {  	s3 =	sand.u32 $0x4000, s31;
	s1 =	sadd.s32 s1, s30  }
0xc1: {  	s0 =	sor.u32 s3, s0;
	s1 =	sshll.u32 s1, $0x11  }
0xc2: {  	s0 =	sor.u32 s1, s0  }
0xc3: {  	s0 =	sadd.s32 $0x8F2B, s0  }
0xc4: {  	[sflag:s0] =	ssyncadd.remote.s32 $0x1  }
0xc5: {  	_ =	sfence.sel $0xFFFF  }
0xc6: {  	[dreg:$0x0] =	wrdreg $0xFFFFFFFF;
	(pc) =	sbr.abs _section_cstart, $3  }
0xc7: {  	[dreg:$0x1] =	wrdreg $0xFFFFFFFF  }
0xc8: {  	_ =	task.clear_ibuf [dreg:s7], $0x2FFFF;
	_ =	strace $0x9FFFFFFF  }
0xc9: {  	(tm) =	ssettm $0x7FFFFFFF  }
tec
execute0_lowered:
.L_overlay_start_1:
0x0: {  	(tag) =	ssettag $0x1  }
0x1: {  	s0 =	srdreg.scid  }
0x2: {  	s4 =	rddreg [dreg:$0x1];
	s5 =	stileid.u32;
	s6 =	sand.u32 $0x1, s0  }
0x3: {  	s7 =	sshll.u32 s5, $0x9;
	s11 =	sadd.s32 $0x1400, s4;
	s8 =	sshll.u32 s6, $0x8  }
0x4: {  	s10 =	ssub.s32 $0x2, s6;
	s6 =	sshll.u32 s6, $0xA;
	s8 =	sor.u32 s8, s7  }
0x5: {  	s12 =	sshrl.u32 s10, $0x1;
	s7 =	sshrl.u32 s8, $0x3;
	s8 =	sshll.u32 s8, $0x2  }
0x6: {  	s31 =	ssub.s32 s10, s12;
	s9 =	sadd.s32 s7, s4;
	s7 =	sadd.s32 $0x1000, s4  }
0x7: {  	s8 =	sadd.s32 s8, s4;
	s4 =	sadd.s32 s6, s4;
	s6 =	smax.u32 s31, $0x1  }
0x8: {  	s2 =	rddreg [dreg:$0x0];
	s16 =	sadd.s32 $0xFFFFFFFF, s6  }
0x9: {  	s1 =	rddreg [dreg:$0x2];
	p2 =	sne.s32 s16, $0x0  }
.Ltmp0:
0xa: {  	s3 =	simm.s32 $0x0;
	s13 =	simm.s32 $0x1;
	(pc) =	sbr.rel @!p2 .LBB2_3-.Ltmp0, $4  }
0xb: {  	p1 =	por $0x0, $0x0;
	[smem:$0x7FF] =	sst s3;
	p0 =	sne.s32 s5, $0x0  }
0xc: {  	s0 =	rddreg [dreg:$0x3];
	_ =	strace $0x80000047;
	s5 =	sshrl.u32 @!p0 s1, $0x3  }
0xd: {  	s10 =	simm.s32 $0x100;
	s12 =	sadd.s32 $0xC00, s9;
	s8 =	sadd.s32 $0x2000, s8  }
0xe: {  	s4 =	sadd.s32 $0x1800, s4;
	s6 =	simm.s32 $0x2;
	s9 =	simm.s32 $0x2100  }
0xf: {  	s15 =	simm.s32 @!p0 $0x1C02;
	s14 =	simm.s32 @!p0 $0x2  }
0x10: {  	[spmem:s5], [sflag:s15] =	dma.local @!p0 [hbm:s11], $0x400  }
0x11: {  	_ =	swait.ge @!p0 [sflag:s14], $0x400  }
0x12: {  	[sflag:s14] =	ssyncset.done @!p0 $0x0  }
0x13: {  	[sflag:s14] =	ssyncadd.s32 @!p0 $0xFFFFFC00  }
0x14: {  	[tilespmem:s3], [sflag:$0x2] =	stream.linear.gather [hbm4b:s12+s3], $0x100, $0x38;
	[tilespmem:$0x2400] =	vst v63  }
0x15: {  	_ =	swait.ge [sflag:s6], $0x100  }
0x16: {  	[sflag:s6] =	ssyncset.done $0x0  }
0x17: {  	[sflag:s6] =	ssyncadd.s32 $0xFFFFFF00  }
0x18: {  	[tilespmem:s9], [sflag:$0x2] =	stream.linear.gather [hbm4b:s7+s3], $0x100, $0x38;
	[tilespmem:$0x2400] =	vst v63  }
0x19: {  	_ =	swait.ge [sflag:s6], $0x100  }
0x1a: {  	[sflag:s6] =	ssyncset.done $0x0  }
0x1b: {  	[sflag:s6] =	ssyncadd.s32 $0xFFFFFF00  }
0x1c: {  	[tilespmem:s10], [sflag:$0x1] =	stream.indirect.gather [hbm4b:s2+s10], $0x20, s3, s10, $0xb8;
	[tilespmem:$0x2400] =	vst v63  }
0x1d: {  	_ =	swait.ge [sflag:s13], $0x2000  }
0x1e: {  	[sflag:s13] =	ssyncset.done $0x0  }
0x1f: {  	[sflag:s13] =	ssyncadd.s32 $0xFFFFE000  }
0x20: {  	[hbm4b:s8+s3] =	stream.linear.scatter [tilespmem:s10], [sflag:$0x2], $0x2000, $0x38;
	[tilespmem:$0x2400] =	vst v63  }
0x21: {  	_ =	swait.ge [sflag:s6], $0x2000  }
0x22: {  	[sflag:s6] =	ssyncset.done $0x0  }
0x23: {  	[sflag:s6] =	ssyncadd.s32 $0xFFFFE000  }
0x24: {  	[bflag:$0x0] =	sbarrier.arrive $0xFFFF  }
0x25: {  	[spmem:s1] =	stream.indirect.scatter.add.f32 [tilespmem:s9], [sflag:$0x2], $0x1, s3, s10, $0xb8;
	[tilespmem:$0x2400] =	vst v63  }
0x26: {  	s16 =	sadd.s32 $0xFFFFFFFF, s16;
	_ =	swait.ge [sflag:s6], $0x100  }
0x27: {  	p2 =	sne.s32 s16, $0x0;
	[sflag:s6] =	ssyncset.done $0x0  }
.Ltmp1:
0x28: {  	[sflag:s6] =	ssyncadd.s32 $0xFFFFFF00;
	(pc) =	sbr.rel @!p2 .LBB2_3-.Ltmp1, $4  }
0x29: {  	[bflag:$0x0] =	sbarrier.arrive $0xFFFF  }
0x2a: {  	[hbm:s4], [sflag:s15] =	dma.local @!p0 [spmem:s5], $0x400  }
0x2b: {  	_ =	swait.ge @!p0 [sflag:s14], $0x400  }
0x2c: {  	p1 =	por $0x1, $0x1;
	[sflag:s14] =	ssyncset.done @!p0 $0x0  }
.LBB2_2:
0x2d: {  	[sflag:s14] =	ssyncadd.s32 @!p0 $0xFFFFFC00  }
0x2e: {  	[spmem:s5], [sflag:s15] =	dma.local @!p0 [hbm:s11], $0x400  }
0x2f: {  	s16 =	sadd.s32 $0xFFFFFFFF, s16;
	_ =	swait.ge @!p0 [sflag:s14], $0x400  }
0x30: {  	p2 =	sne.s32 s16, $0x0;
	[sflag:s14] =	ssyncset.done @!p0 $0x0  }
0x31: {  	[sflag:s14] =	ssyncadd.s32 @!p0 $0xFFFFFC00  }
0x32: {  	[tilespmem:s3], [sflag:$0x2] =	stream.linear.gather [hbm4b:s12+s3], $0x100, $0x38;
	[tilespmem:$0x2400] =	vst v63  }
0x33: {  	_ =	swait.ge [sflag:s6], $0x100  }
0x34: {  	[sflag:s6] =	ssyncset.done $0x0  }
0x35: {  	[sflag:s6] =	ssyncadd.s32 $0xFFFFFF00  }
0x36: {  	[tilespmem:s9], [sflag:$0x2] =	stream.linear.gather [hbm4b:s7+s3], $0x100, $0x38;
	[tilespmem:$0x2400] =	vst v63  }
0x37: {  	_ =	swait.ge [sflag:s6], $0x100  }
0x38: {  	[sflag:s6] =	ssyncset.done $0x0  }
0x39: {  	[sflag:s6] =	ssyncadd.s32 $0xFFFFFF00  }
0x3a: {  	[tilespmem:s10], [sflag:$0x1] =	stream.indirect.gather [hbm4b:s2+s10], $0x20, s3, s10, $0xb8;
	[tilespmem:$0x2400] =	vst v63  }
0x3b: {  	_ =	swait.ge [sflag:s13], $0x2000  }
0x3c: {  	[sflag:s13] =	ssyncset.done $0x0  }
0x3d: {  	[sflag:s13] =	ssyncadd.s32 $0xFFFFE000  }
0x3e: {  	[hbm4b:s8+s3] =	stream.linear.scatter [tilespmem:s10], [sflag:$0x2], $0x2000, $0x38;
	[tilespmem:$0x2400] =	vst v63  }
0x3f: {  	_ =	swait.ge [sflag:s6], $0x2000  }
0x40: {  	[sflag:s6] =	ssyncset.done $0x0  }
0x41: {  	[sflag:s6] =	ssyncadd.s32 $0xFFFFE000  }
0x42: {  	[bflag:$0x0] =	sbarrier.arrive $0xFFFF  }
0x43: {  	[spmem:s1] =	stream.indirect.scatter.add.f32 [tilespmem:s9], [sflag:$0x2], $0x1, s3, s10, $0xb8;
	[tilespmem:$0x2400] =	vst v63  }
0x44: {  	_ =	swait.ge [sflag:s6], $0x100  }
0x45: {  	[sflag:s6] =	ssyncset.done $0x0  }
.Ltmp2:
0x46: {  	[sflag:s6] =	ssyncadd.s32 $0xFFFFFF00;
	(pc) =	sbr.rel @p2 .LBB2_2-.Ltmp2, $4  }
0x47: {  	[bflag:$0x0] =	sbarrier.arrive $0xFFFF  }
0x48: {  	[hbm:s4], [sflag:s15] =	dma.local @!p0 [spmem:s5], $0x400  }
0x49: {  	_ =	swait.ge @!p0 [sflag:s14], $0x400  }
0x4a: {  	[sflag:s14] =	ssyncset.done @!p0 $0x0  }
.LBB2_3:
0x4b: {  	p1 =	por p0, !p1  }
0x4c: {  	s15 =	simm.s32 @!p0 $0x1C02;
	s16 =	simm.s32 @!p0 $0x2;
	[sflag:s14] =	ssyncadd.s32 @!p1 $0xFFFFFC00  }
0x4d: {  	[spmem:s5], [sflag:s15] =	dma.local @!p0 [hbm:s11], $0x400  }
0x4e: {  	_ =	swait.ge @!p0 [sflag:s16], $0x400  }
0x4f: {  	[sflag:s16] =	ssyncset.done @!p0 $0x0  }
0x50: {  	[sflag:s16] =	ssyncadd.s32 @!p0 $0xFFFFFC00  }
0x51: {  	[tilespmem:s3], [sflag:$0x2] =	stream.linear.gather [hbm4b:s12+s3], $0x100, $0x38;
	[tilespmem:$0x2400] =	vst v63  }
0x52: {  	_ =	swait.ge [sflag:s6], $0x100  }
0x53: {  	[sflag:s6] =	ssyncset.done $0x0  }
0x54: {  	[sflag:s6] =	ssyncadd.s32 $0xFFFFFF00  }
0x55: {  	[tilespmem:s9], [sflag:$0x2] =	stream.linear.gather [hbm4b:s7+s3], $0x100, $0x38;
	[tilespmem:$0x2400] =	vst v63  }
0x56: {  	_ =	swait.ge [sflag:s6], $0x100  }
0x57: {  	[sflag:s6] =	ssyncset.done $0x0  }
0x58: {  	[sflag:s6] =	ssyncadd.s32 $0xFFFFFF00  }
0x59: {  	[tilespmem:s10], [sflag:$0x1] =	stream.indirect.gather [hbm4b:s2+s10], $0x20, s3, s10, $0xb8;
	[tilespmem:$0x2400] =	vst v63  }
0x5a: {  	_ =	swait.ge [sflag:s13], $0x2000  }
0x5b: {  	[sflag:s13] =	ssyncset.done $0x0  }
0x5c: {  	[sflag:s13] =	ssyncadd.s32 $0xFFFFE000  }
0x5d: {  	[hbm4b:s8+s3] =	stream.linear.scatter [tilespmem:s10], [sflag:$0x2], $0x2000, $0x38;
	[tilespmem:$0x2400] =	vst v63  }
0x5e: {  	_ =	swait.ge [sflag:s6], $0x2000  }
0x5f: {  	[sflag:s6] =	ssyncset.done $0x0  }
0x60: {  	[sflag:s6] =	ssyncadd.s32 $0xFFFFE000  }
0x61: {  	[bflag:$0x0] =	sbarrier.arrive $0xFFFF  }
0x62: {  	[spmem:s1] =	stream.indirect.scatter.add.f32 [tilespmem:s9], [sflag:$0x2], $0x1, s3, s10, $0xb8;
	[tilespmem:$0x2400] =	vst v63  }
0x63: {  	_ =	swait.ge [sflag:s6], $0x100  }
0x64: {  	[sflag:s6] =	ssyncset.done $0x0  }
0x65: {  	[sflag:s6] =	ssyncadd.s32 $0xFFFFFF00  }
0x66: {  	[bflag:$0x0] =	sbarrier.arrive $0xFFFF  }
0x67: {  	[hbm:s4], [sflag:s15] =	dma.local @!p0 [spmem:s5], $0x400  }
0x68: {  	_ =	swait.ge @!p0 [sflag:s16], $0x400  }
0x69: {  	[sflag:s16] =	ssyncset.done @!p0 $0x0  }
0x6a: {  	[sflag:s16] =	ssyncadd.s32 @!p0 $0xFFFFFC00  }
0x6b: {  	_ =	sfence.sel $0x180000  }
0x6c: {  	[bflag:$0x0] =	sbarrier.arrive $0xFFFF  }
0x6d: {  	_ =	strace $0x90000047  }
0x6e: {  	s0 =	sadd.s32 @!p0 $0x100000, s0;
	[bflag:$0x2] =	sbarrier.arrive $0xFFFF  }
0x6f: {  	[sflag:s0] =	ssyncadd.tile.s32 @!p0 $0x1;
	_ =	shalt  }
.Lfunc_end2:
_tile_overlayer_lowered:
.L_overlay_start_2:
0x70: {  	(tag) =	ssettag $0x2  }
0x71: {  	s0 =	rddreg [dreg:$0x0];
	s2 =	stileid.u32  }
0x72: {  	s1 =	rddreg [dreg:$0x1];
	p0 =	sne.s32 s2, $0x0  }
0x73: {  	s3 =	rddreg [dreg:$0x2];
	[bflag:$0x3] =	sbarrier.arrive $0xFFFF;
	s2 =	simm.s32 @!p0 $0x1C02  }
0x74: {  	[timem:s3], [sflag:s2] =	dma.local @!p0 [hbm:s0], s1  }
0x75: {  	s0 =	simm.s32 @!p0 $0x2  }
0x76: {  	_ =	swait.ge @!p0 [sflag:s0], s1  }
0x77: {  	s1 =	ssub.s32 @!p0 $0x0, s1;
	[sflag:s0] =	ssyncset.done @!p0 $0x0  }
0x78: {  	[sflag:s0] =	ssyncadd.s32 @!p0 s1  }
0x79: {  	[bflag:$0x3] =	sbarrier.arrive $0xFFFF  }
0x7a: {  	_ =	shalt  }

</sc_bundles>
